<compile_context>
chip_gen: v7x
topology: tpu7x:2x2x1
jax: 0.10.2.dev20260603
libtpu: 0.0.44.dev20260713+nightly
codegen_flags: <defaults>
</compile_context>

<pallas_src>
import functools

import jax
import jax.numpy as jnp
from jax import lax
from jax.experimental import pallas as pl
from jax.experimental.pallas import tpu as pltpu
from jax.experimental.pallas import tpu_sc as plsc

_B = 128
_V = 100000
_NC = 2
_NW = 32
_L = 16
_RPW = 4
_C = 80
_NCH = _V // _C
_INF = float("inf")


def _make_sc_call():
    mesh = plsc.VectorSubcoreMesh(core_axis_name="c", subcore_axis_name="s")

    @functools.partial(
        pl.kernel,
        mesh=mesh,
        compiler_params=pltpu.CompilerParams(needs_layout_passes=False),
        out_type=jax.ShapeDtypeStruct((_NW, _L), jnp.float32),
        scratch_types=[
            pltpu.VMEM((_B,), jnp.int32),
            pltpu.VMEM((_L, _B), jnp.float32),
            pltpu.VMEM((_C, _B), jnp.float32),
            pltpu.VMEM((_L,), jnp.float32),
            pltpu.SemaphoreType.DMA,
            pltpu.SemaphoreType.DMA,
        ],
    )
    def sc_accuracy(out_t_hbm, targets_hbm, out_hbm, tgt_v, gbuf_v, buf_v,
                    outv, sem, sem0):
        gid = lax.axis_index("s") * _NC + lax.axis_index("c")
        blk = gid // _RPW
        quar = gid - blk * _RPW
        col0 = pl.multiple_of(blk * _L, _L)
        lanes = lax.iota(jnp.int32, _L)
        lo = quar * _RPW
        relm = (lanes >= lo) & (lanes < lo + _RPW)
        ones = jnp.ones((_L,), jnp.float32)
        zeros = jnp.zeros((_L,), jnp.float32)

        cp_t = pltpu.async_copy(targets_hbm, tgt_v, sem)
        cp0 = pltpu.async_copy(out_t_hbm.at[pl.ds(0, _C)], buf_v, sem0)
        cp_t.wait()

        def extract(vec, lane):
            sel = jnp.where(lanes == lane, vec, jnp.zeros_like(vec))
            return jnp.sum(sel)

        idxvec = tgt_v[pl.ds(col0, _L)]
        pltpu.async_copy(out_t_hbm.at[idxvec], gbuf_v, sem).wait()

        svec = jnp.where(relm, zeros, jnp.full((_L,), _INF))
        for r in range(_RPW):
            l = lo + r
            s_r = extract(gbuf_v[l, pl.ds(col0, _L)], l)
            svec = svec + jnp.where(lanes == l, s_r, zeros)
        tcols = tgt_v[pl.ds(col0, _L)]
        cp0.wait()

        def chunk_cond(c):
            ci, cnt, _ = c
            alive = jnp.sum(jnp.where(relm & (cnt < 5.0), ones, zeros))
            return (ci < _NCH) & (alive > 0.0)

        def chunk_body(c):
            ci, cnt, eq = c
            voff = pl.multiple_of(ci * _C, 8)

            @pl.when(ci > 0)
            def _():
                pltpu.sync_copy(out_t_hbm.at[pl.ds(voff, _C)], buf_v)

            def inner(i, acc):
                cnt, eq = acc
                b = i * 4
                for j in range(4):
                    v = buf_v[b + j, pl.ds(col0, _L)]
                    cnt = cnt + jnp.where(v > svec, ones, zeros)
                    m = (v == svec) & (voff + b + j < tcols)
                    eq = eq + jnp.where(m, ones, zeros)
                return cnt, eq

            cnt, eq = lax.fori_loop(0, _C // 4, inner, (cnt, eq))
            return ci + 1, cnt, eq

        _, cnts, eqs = lax.while_loop(chunk_cond, chunk_body,
                                      (jnp.int32(0), zeros, zeros))

        rank = cnts + eqs
        top1 = jnp.sum(jnp.where(relm & (rank < 1.0), ones, zeros))
        top5 = jnp.sum(jnp.where(relm & (rank < 5.0), ones, zeros))

        outv[...] = jnp.where(lanes == 0, top1,
                              jnp.where(lanes == 1, top5, 0.0))
        pltpu.sync_copy(outv, out_hbm.at[gid])

    return sc_accuracy


_sc_accuracy = _make_sc_call()


def kernel(outputs, targets):
    parts = _sc_accuracy(outputs.T, targets.astype(jnp.int32))
    s = parts.sum(axis=0) * (100.0 / _B)
    return (s[0:1], s[1:2])

# --- scband reference (transcript-rebuilt; emitter-appended) ---
"""Pipeline reference for scband-accuracy-89498528514908 (READ-ONLY COPY).

The authoritative reference and input builder live on the scoring server;
editing this copy changes nothing except your own understanding.
"""

import jax, jax.numpy as jnp
import numpy as np

TOPK = (1, 5)

def setup_inputs(seed: int = 0) -> dict:
    key = jax.random.key(seed)
    k1, k2 = jax.random.split(key)
    outputs = jax.random.normal(k1, (128, 100000), dtype=jnp.float32)
    targets = jax.random.randint(k2, (128,), 0, 100000, dtype=jnp.int64 if jax.config.jax_enable_x64 else jnp.int32)
    return {"outputs": outputs, "targets": targets}

def reference(outputs, targets):
    # Faithful translation of Accuracy.forward (the original `expand_ad` is the
    # standard `expand_as` broadcast of targets against pred).
    maxk = max(TOPK)
    bsz = targets.shape[0]
    _, pred = jax.lax.top_k(outputs, maxk)          # [B, maxk], sorted descending
    pred = pred.T                                    # [maxk, B]
    correct = (pred == targets.reshape(1, -1))       # broadcast over rows, [maxk, B]
    res = []
    for k in TOPK:
        correct_k = correct[:k].reshape(-1).astype(jnp.float32).sum(keepdims=True)
        res.append(correct_k * (100.0 / bsz))
    return tuple(res)

if __name__ == "__main__":
    import jax
    _d = setup_inputs()
    print(jax.jit(kernel)(*tuple(_d.values())))

</pallas_src>

<mosaic_0001>
#map = affine_map<(d0, d1) -> (0, 0)>
#map1 = affine_map<(d0, d1) -> (0)>
module attributes {stable_mosaic.version = 14 : i64} {
  func.func @sc_accuracy(%arg0: i32, %arg1: i32, %arg2: memref<100000x128xf32, #tpu.memory_space<hbm>>, %arg3: memref<128xi32, #tpu.memory_space<hbm>>, %arg4: memref<32x16xf32, #tpu.memory_space<hbm>>, %arg5: memref<128xi32, #tpu.memory_space<vmem>>, %arg6: memref<16x128xf32, #tpu.memory_space<vmem>>, %arg7: memref<80x128xf32, #tpu.memory_space<vmem>>, %arg8: memref<16xf32, #tpu.memory_space<vmem>>, %arg9: memref<!tpu.dma_semaphore, #tpu.memory_space<semaphore_mem>>, %arg10: memref<!tpu.dma_semaphore, #tpu.memory_space<semaphore_mem>>) attributes {dimension_semantics = [#tpu.dimension_semantics<core_parallel>, #tpu.dimension_semantics<subcore_parallel>], iteration_bounds = array<i64: 2, 16>, scalar_prefetch = 0 : i64, scratch_operands = 6 : i64, tpu.core_type = #tpu.core_type<sc_vector_subcore>, window_params = [{transform_indices = #map}, {transform_indices = #map1}, {transform_indices = #map}]} {
    %mul3A = arith.constant 2 : i32
    %mul3A_0 = arith.muli %arg1, %mul3A : i32
    %add3A = arith.addi %mul3A_0, %arg0 : i32
    %jit3A = arith.constant 4 : i32
    %div3A = arith.divsi %add3A, %jit3A : i32
    %sign3A = arith.constant 0 : i32
    %sign3A_1 = arith.cmpi sgt, %add3A, %sign3A : i32
    %sign3A_2 = arith.extui %sign3A_1 : i1 to i32
    %sign3A_3 = arith.constant 0 : i32
    %sign3A_4 = arith.cmpi slt, %add3A, %sign3A_3 : i32
    %sign3A_5 = arith.extui %sign3A_4 : i1 to i32
    %sign3A_6 = arith.subi %sign3A_2, %sign3A_5 : i32
    %sign3A_7 = arith.constant 0 : i32
    %sign3A_8 = arith.cmpi sgt, %jit3A, %sign3A_7 : i32
    %sign3A_9 = arith.extui %sign3A_8 : i1 to i32
    %sign3A_10 = arith.constant 0 : i32
    %sign3A_11 = arith.cmpi slt, %jit3A, %sign3A_10 : i32
    %sign3A_12 = arith.extui %sign3A_11 : i1 to i32
    %sign3A_13 = arith.subi %sign3A_9, %sign3A_12 : i32
    %ne3A = arith.cmpi ne, %sign3A_6, %sign3A_13 : i32
    %rem3A = arith.remsi %add3A, %jit3A : i32
    %ne3A_14 = arith.constant 0 : i32
    %ne3A_15 = arith.cmpi ne, %rem3A, %ne3A_14 : i32
    %and3A = arith.andi %ne3A, %ne3A_15 : i1
    %sub3A = arith.constant 1 : i32
    %sub3A_16 = arith.subi %div3A, %sub3A : i32
    %select_n3A = arith.select %and3A, %sub3A_16, %div3A : i32
    %mul3A_17 = arith.constant 4 : i32
    %mul3A_18 = arith.muli %select_n3A, %mul3A_17 : i32
    %sub3A_19 = arith.subi %add3A, %mul3A_18 : i32
    %mul3A_20 = arith.constant 16 : i32
    %mul3A_21 = arith.muli %select_n3A, %mul3A_20 : i32
    %multiple_of3A = tpu.assume_multiple %mul3A_21, 16 : i32
    %iota3A = tpu.iota {dimensions = array<i32: 0>} : vector<16xi32>
    %mul3A_22 = arith.constant 4 : i32
    %mul3A_23 = arith.muli %sub3A_19, %mul3A_22 : i32
    %ge3A = vector.broadcast %mul3A_23 : i32 to vector<16xi32>
    %ge3A_24 = arith.cmpi sge, %iota3A, %ge3A : vector<16xi32>
    %add3A_25 = arith.constant 4 : i32
    %add3A_26 = arith.addi %mul3A_23, %add3A_25 : i32
    %lt3A = vector.broadcast %add3A_26 : i32 to vector<16xi32>
    %lt3A_27 = arith.cmpi slt, %iota3A, %lt3A : vector<16xi32>
    %and3A_28 = arith.andi %ge3A_24, %lt3A_27 : vector<16xi1>
    %broadcast_in_dim3A = arith.constant 1.000000e+00 : f32
    %broadcast_in_dim3A_29 = vector.broadcast %broadcast_in_dim3A : f32 to vector<16xf32>
    %broadcast_in_dim3A_30 = arith.constant 0.000000e+00 : f32
    %broadcast_in_dim3A_31 = vector.broadcast %broadcast_in_dim3A_30 : f32 to vector<16xf32>
    tpu.enqueue_dma source(%arg3 : memref<128xi32, #tpu.memory_space<hbm>>) target(%arg5 : memref<128xi32, #tpu.memory_space<vmem>>) target_semaphore(%arg9 : memref<!tpu.dma_semaphore, #tpu.memory_space<semaphore_mem>>)
    %dma_start3A = arith.constant 0 : i32
    %dma_start3A_32 = arith.constant 0 : i32
    %dma_start3A_33 = tpu.memref_slice %arg2[%dma_start3A, %dma_start3A_32] : memref<100000x128xf32, #tpu.memory_space<hbm>> -> memref<80x128xf32, #tpu.memory_space<hbm>>
    %dma_start3A_34 = arith.constant 0 : i32
    %dma_start3A_35 = arith.constant 0 : i32
    %dma_start3A_36 = tpu.memref_slice %arg2[%dma_start3A_34, %dma_start3A_35] : memref<100000x128xf32, #tpu.memory_space<hbm>> -> memref<80x128xf32, #tpu.memory_space<hbm>>
    tpu.enqueue_dma source(%dma_start3A_36 : memref<80x128xf32, #tpu.memory_space<hbm>>) target(%arg7 : memref<80x128xf32, #tpu.memory_space<vmem>>) target_semaphore(%arg10 : memref<!tpu.dma_semaphore, #tpu.memory_space<semaphore_mem>>)
    tpu.wait_dma2 semaphore(%arg9 : memref<!tpu.dma_semaphore, #tpu.memory_space<semaphore_mem>>) src(%arg3 : memref<128xi32, #tpu.memory_space<hbm>>) dst(%arg5 : memref<128xi32, #tpu.memory_space<vmem>>)
    %get3A = arith.index_cast %multiple_of3A : i32 to index
    %get3A_37 = tpu.vector_load %arg5[%get3A] {strides = array<i32>} : memref<128xi32, #tpu.memory_space<vmem>>, vector<16xi32>,
    %dma_start3A_38 = arith.constant 0 : i32
    %dma_start3A_39 = arith.constant 0 : i32
    %dma_start3A_40 = tpu.memref_slice %arg2[%dma_start3A_38, %dma_start3A_39] : memref<100000x128xf32, #tpu.memory_space<hbm>> -> memref<100000x128xf32, #tpu.memory_space<hbm>>
    tpu.enqueue_indirect_dma source(%dma_start3A_40 : memref<100000x128xf32, #tpu.memory_space<hbm>>) target(%arg6 : memref<16x128xf32, #tpu.memory_space<vmem>>) offsets(%get3A_37 : vector<16xi32>) semaphore(%arg9 : memref<!tpu.dma_semaphore, #tpu.memory_space<semaphore_mem>>)
    %dma_wait3A = arith.constant 0 : i32
    %dma_wait3A_41 = arith.constant 0 : i32
    %dma_wait3A_42 = tpu.memref_slice %arg2[%dma_wait3A, %dma_wait3A_41] : memref<100000x128xf32, #tpu.memory_space<hbm>> -> memref<100000x128xf32, #tpu.memory_space<hbm>>
    tpu.wait_indirect_dma semaphore(%arg9 : memref<!tpu.dma_semaphore, #tpu.memory_space<semaphore_mem>>) src(%dma_wait3A_42 : memref<100000x128xf32, #tpu.memory_space<hbm>>) dst(%arg6 : memref<16x128xf32, #tpu.memory_space<vmem>>)
    %broadcast_in_dim3A_43 = arith.constant 0x7F800000 : f32
    %broadcast_in_dim3A_44 = vector.broadcast %broadcast_in_dim3A_43 : f32 to vector<16xf32>
    %select_n3A_45 = arith.select %and3A_28, %broadcast_in_dim3A_31, %broadcast_in_dim3A_44 : vector<16xi1>, vector<16xf32>
    %add3A_46 = arith.constant 0 : i32
    %add3A_47 = arith.addi %mul3A_23, %add3A_46 : i32
    %get3A_48 = arith.index_cast %add3A_47 : i32 to index
    %get3A_49 = arith.index_cast %multiple_of3A : i32 to index
    %get3A_50 = tpu.vector_load %arg6[%get3A_48, %get3A_49] {strides = array<i32>} : memref<16x128xf32, #tpu.memory_space<vmem>>, vector<16xf32>,
    %eq3A = vector.broadcast %add3A_47 : i32 to vector<16xi32>
    %eq3A_51 = arith.cmpi eq, %iota3A, %eq3A : vector<16xi32>
    %broadcast_in_dim3A_52 = arith.constant 0.000000e+00 : f32
    %broadcast_in_dim3A_53 = vector.broadcast %broadcast_in_dim3A_52 : f32 to vector<16xf32>
    %select_n3A_54 = arith.select %eq3A_51, %get3A_50, %broadcast_in_dim3A_53 : vector<16xi1>, vector<16xf32>
    %reduce_sum3A = arith.constant true
    %reduce_sum3A_55 = vector.broadcast %reduce_sum3A : i1 to vector<16xi1>
    %reduce_sum3A_56 = tpu.scan <sum>, %select_n3A_54 masked %reduce_sum3A_55 : vector<16xf32>, vector<16xi1> -> vector<16xf32>
    %reduce_sum3A_57 = vector.extract %reduce_sum3A_56[15] : f32 from vector<16xf32>
    %eq3A_58 = vector.broadcast %add3A_47 : i32 to vector<16xi32>
    %eq3A_59 = arith.cmpi eq, %iota3A, %eq3A_58 : vector<16xi32>
    %broadcast_in_dim3A_60 = vector.broadcast %reduce_sum3A_57 : f32 to vector<16xf32>
    %select_n3A_61 = arith.select %eq3A_59, %broadcast_in_dim3A_60, %broadcast_in_dim3A_31 : vector<16xi1>, vector<16xf32>
    %add3A_62 = arith.addf %select_n3A_45, %select_n3A_61 : vector<16xf32>
    %add3A_63 = arith.constant 1 : i32
    %add3A_64 = arith.addi %mul3A_23, %add3A_63 : i32
    %get3A_65 = arith.index_cast %add3A_64 : i32 to index
    %get3A_66 = arith.index_cast %multiple_of3A : i32 to index
    %get3A_67 = tpu.vector_load %arg6[%get3A_65, %get3A_66] {strides = array<i32>} : memref<16x128xf32, #tpu.memory_space<vmem>>, vector<16xf32>,
    %eq3A_68 = vector.broadcast %add3A_64 : i32 to vector<16xi32>
    %eq3A_69 = arith.cmpi eq, %iota3A, %eq3A_68 : vector<16xi32>
    %broadcast_in_dim3A_70 = arith.constant 0.000000e+00 : f32
    %broadcast_in_dim3A_71 = vector.broadcast %broadcast_in_dim3A_70 : f32 to vector<16xf32>
    %select_n3A_72 = arith.select %eq3A_69, %get3A_67, %broadcast_in_dim3A_71 : vector<16xi1>, vector<16xf32>
    %reduce_sum3A_73 = arith.constant true
    %reduce_sum3A_74 = vector.broadcast %reduce_sum3A_73 : i1 to vector<16xi1>
    %reduce_sum3A_75 = tpu.scan <sum>, %select_n3A_72 masked %reduce_sum3A_74 : vector<16xf32>, vector<16xi1> -> vector<16xf32>
    %reduce_sum3A_76 = vector.extract %reduce_sum3A_75[15] : f32 from vector<16xf32>
    %eq3A_77 = vector.broadcast %add3A_64 : i32 to vector<16xi32>
    %eq3A_78 = arith.cmpi eq, %iota3A, %eq3A_77 : vector<16xi32>
    %broadcast_in_dim3A_79 = vector.broadcast %reduce_sum3A_76 : f32 to vector<16xf32>
    %select_n3A_80 = arith.select %eq3A_78, %broadcast_in_dim3A_79, %broadcast_in_dim3A_31 : vector<16xi1>, vector<16xf32>
    %add3A_81 = arith.addf %add3A_62, %select_n3A_80 : vector<16xf32>
    %add3A_82 = arith.constant 2 : i32
    %add3A_83 = arith.addi %mul3A_23, %add3A_82 : i32
    %get3A_84 = arith.index_cast %add3A_83 : i32 to index
    %get3A_85 = arith.index_cast %multiple_of3A : i32 to index
    %get3A_86 = tpu.vector_load %arg6[%get3A_84, %get3A_85] {strides = array<i32>} : memref<16x128xf32, #tpu.memory_space<vmem>>, vector<16xf32>,
    %eq3A_87 = vector.broadcast %add3A_83 : i32 to vector<16xi32>
    %eq3A_88 = arith.cmpi eq, %iota3A, %eq3A_87 : vector<16xi32>
    %broadcast_in_dim3A_89 = arith.constant 0.000000e+00 : f32
    %broadcast_in_dim3A_90 = vector.broadcast %broadcast_in_dim3A_89 : f32 to vector<16xf32>
    %select_n3A_91 = arith.select %eq3A_88, %get3A_86, %broadcast_in_dim3A_90 : vector<16xi1>, vector<16xf32>
    %reduce_sum3A_92 = arith.constant true
    %reduce_sum3A_93 = vector.broadcast %reduce_sum3A_92 : i1 to vector<16xi1>
    %reduce_sum3A_94 = tpu.scan <sum>, %select_n3A_91 masked %reduce_sum3A_93 : vector<16xf32>, vector<16xi1> -> vector<16xf32>
    %reduce_sum3A_95 = vector.extract %reduce_sum3A_94[15] : f32 from vector<16xf32>
    %eq3A_96 = vector.broadcast %add3A_83 : i32 to vector<16xi32>
    %eq3A_97 = arith.cmpi eq, %iota3A, %eq3A_96 : vector<16xi32>
    %broadcast_in_dim3A_98 = vector.broadcast %reduce_sum3A_95 : f32 to vector<16xf32>
    %select_n3A_99 = arith.select %eq3A_97, %broadcast_in_dim3A_98, %broadcast_in_dim3A_31 : vector<16xi1>, vector<16xf32>
    %add3A_100 = arith.addf %add3A_81, %select_n3A_99 : vector<16xf32>
    %add3A_101 = arith.constant 3 : i32
    %add3A_102 = arith.addi %mul3A_23, %add3A_101 : i32
    %get3A_103 = arith.index_cast %add3A_102 : i32 to index
    %get3A_104 = arith.index_cast %multiple_of3A : i32 to index
    %get3A_105 = tpu.vector_load %arg6[%get3A_103, %get3A_104] {strides = array<i32>} : memref<16x128xf32, #tpu.memory_space<vmem>>, vector<16xf32>,
    %eq3A_106 = vector.broadcast %add3A_102 : i32 to vector<16xi32>
    %eq3A_107 = arith.cmpi eq, %iota3A, %eq3A_106 : vector<16xi32>
    %broadcast_in_dim3A_108 = arith.constant 0.000000e+00 : f32
    %broadcast_in_dim3A_109 = vector.broadcast %broadcast_in_dim3A_108 : f32 to vector<16xf32>
    %select_n3A_110 = arith.select %eq3A_107, %get3A_105, %broadcast_in_dim3A_109 : vector<16xi1>, vector<16xf32>
    %reduce_sum3A_111 = arith.constant true
    %reduce_sum3A_112 = vector.broadcast %reduce_sum3A_111 : i1 to vector<16xi1>
    %reduce_sum3A_113 = tpu.scan <sum>, %select_n3A_110 masked %reduce_sum3A_112 : vector<16xf32>, vector<16xi1> -> vector<16xf32>
    %reduce_sum3A_114 = vector.extract %reduce_sum3A_113[15] : f32 from vector<16xf32>
    %eq3A_115 = vector.broadcast %add3A_102 : i32 to vector<16xi32>
    %eq3A_116 = arith.cmpi eq, %iota3A, %eq3A_115 : vector<16xi32>
    %broadcast_in_dim3A_117 = vector.broadcast %reduce_sum3A_114 : f32 to vector<16xf32>
    %select_n3A_118 = arith.select %eq3A_116, %broadcast_in_dim3A_117, %broadcast_in_dim3A_31 : vector<16xi1>, vector<16xf32>
    %add3A_119 = arith.addf %add3A_100, %select_n3A_118 : vector<16xf32>
    %get3A_120 = arith.index_cast %multiple_of3A : i32 to index
    %get3A_121 = tpu.vector_load %arg5[%get3A_120] {strides = array<i32>} : memref<128xi32, #tpu.memory_space<vmem>>, vector<16xi32>,
    %dma_wait3A_122 = arith.constant 0 : i32
    %dma_wait3A_123 = arith.constant 0 : i32
    %dma_wait3A_124 = tpu.memref_slice %arg2[%dma_wait3A_122, %dma_wait3A_123] : memref<100000x128xf32, #tpu.memory_space<hbm>> -> memref<80x128xf32, #tpu.memory_space<hbm>>
    %dma_wait3A_125 = arith.constant 0 : i32
    %dma_wait3A_126 = arith.constant 0 : i32
    %dma_wait3A_127 = tpu.memref_slice %arg2[%dma_wait3A_125, %dma_wait3A_126] : memref<100000x128xf32, #tpu.memory_space<hbm>> -> memref<80x128xf32, #tpu.memory_space<hbm>>
    tpu.wait_dma2 semaphore(%arg10 : memref<!tpu.dma_semaphore, #tpu.memory_space<semaphore_mem>>) src(%dma_wait3A_127 : memref<80x128xf32, #tpu.memory_space<hbm>>) dst(%arg7 : memref<80x128xf32, #tpu.memory_space<vmem>>)
    %while3A = arith.constant 0 : i32
    %while3A_128:3 = scf.while (%while3A_161 = %while3A, %while3A_162 = %broadcast_in_dim3A_31, %while3A_163 = %broadcast_in_dim3A_31) : (i32, vector<16xf32>, vector<16xf32>) -> (i32, vector<16xf32>, vector<16xf32>) {
      %lt3A_164 = arith.constant 5.000000e+00 : f32
      %lt3A_165 = vector.broadcast %lt3A_164 : f32 to vector<16xf32>
      %lt3A_166 = arith.cmpf olt, %while3A_162, %lt3A_165 : vector<16xf32>
      %and3A_167 = arith.andi %and3A_28, %lt3A_166 : vector<16xi1>
      %select_n3A_168 = arith.select %and3A_167, %broadcast_in_dim3A_29, %broadcast_in_dim3A_31 : vector<16xi1>, vector<16xf32>
      %reduce_sum3A_169 = arith.constant true
      %reduce_sum3A_170 = vector.broadcast %reduce_sum3A_169 : i1 to vector<16xi1>
      %reduce_sum3A_171 = tpu.scan <sum>, %select_n3A_168 masked %reduce_sum3A_170 : vector<16xf32>, vector<16xi1> -> vector<16xf32>
      %reduce_sum3A_172 = vector.extract %reduce_sum3A_171[15] : f32 from vector<16xf32>
      %lt3A_173 = arith.constant 1250 : i32
      %lt3A_174 = arith.cmpi slt, %while3A_161, %lt3A_173 : i32
      %gt3A = arith.constant 0.000000e+00 : f32
      %gt3A_175 = arith.cmpf ogt, %reduce_sum3A_172, %gt3A : f32
      %and3A_176 = arith.andi %lt3A_174, %gt3A_175 : i1
      scf.condition(%and3A_176) %while3A_161, %while3A_162, %while3A_163 : i32, vector<16xf32>, vector<16xf32>
    } do {
    ^bb0(%while3A_161: i32, %while3A_162: vector<16xf32>, %while3A_163: vector<16xf32>):
      %mul3A_164 = arith.constant 80 : i32
      %mul3A_165 = arith.muli %while3A_161, %mul3A_164 : i32
      %multiple_of3A_166 = tpu.assume_multiple %mul3A_165, 8 : i32
      %gt3A = arith.constant 0 : i32
      %gt3A_167 = arith.cmpi sgt, %while3A_161, %gt3A : i32
      %convert_element_type3A = arith.extui %gt3A_167 : i1 to i32
      %cond3A = arith.constant 0 : i32
      %cond3A_168 = arith.cmpi ne, %convert_element_type3A, %cond3A : i32
      scf.if %cond3A_168 {
        "tpu.region"() ({
          %run_scoped3A = tpu.sem_alloc : memref<!tpu.dma_semaphore, #tpu.memory_space<semaphore_mem>>
          %dma_start3A_176 = arith.constant 0 : i32
          %dma_start3A_177 = tpu.memref_slice %arg2[%multiple_of3A_166, %dma_start3A_176] : memref<100000x128xf32, #tpu.memory_space<hbm>> -> memref<80x128xf32, #tpu.memory_space<hbm>>
          %dma_start3A_178 = arith.constant 0 : i32
          %dma_start3A_179 = tpu.memref_slice %arg2[%multiple_of3A_166, %dma_start3A_178] : memref<100000x128xf32, #tpu.memory_space<hbm>> -> memref<80x128xf32, #tpu.memory_space<hbm>>
          tpu.enqueue_dma source(%dma_start3A_179 : memref<80x128xf32, #tpu.memory_space<hbm>>) target(%arg7 : memref<80x128xf32, #tpu.memory_space<vmem>>) target_semaphore(%run_scoped3A : memref<!tpu.dma_semaphore, #tpu.memory_space<semaphore_mem>>)
          %dma_wait3A_180 = arith.constant 0 : i32
          %dma_wait3A_181 = tpu.memref_slice %arg2[%multiple_of3A_166, %dma_wait3A_180] : memref<100000x128xf32, #tpu.memory_space<hbm>> -> memref<80x128xf32, #tpu.memory_space<hbm>>
          %dma_wait3A_182 = arith.constant 0 : i32
          %dma_wait3A_183 = tpu.memref_slice %arg2[%multiple_of3A_166, %dma_wait3A_182] : memref<100000x128xf32, #tpu.memory_space<hbm>> -> memref<80x128xf32, #tpu.memory_space<hbm>>
          tpu.wait_dma2 semaphore(%run_scoped3A : memref<!tpu.dma_semaphore, #tpu.memory_space<semaphore_mem>>) src(%dma_wait3A_183 : memref<80x128xf32, #tpu.memory_space<hbm>>) dst(%arg7 : memref<80x128xf32, #tpu.memory_space<vmem>>)
          tpu.yield
        }) : () -> ()
      } else {
      }
      %scan3A = arith.constant 0 : i32
      %scan3A_169 = arith.constant 20 : i32
      %scan3A_170 = arith.addi %scan3A, %scan3A_169 : i32
      %scan3A_171 = arith.constant 1 : i32
      %scan3A_172:2 = scf.for %scan3A_176 = %scan3A to %scan3A_170 step %scan3A_171 iter_args(%scan3A_177 = %while3A_162, %scan3A_178 = %while3A_163) -> (vector<16xf32>, vector<16xf32>)  : i32 {
        %mul3A_179 = arith.constant 4 : i32
        %mul3A_180 = arith.muli %scan3A_176, %mul3A_179 : i32
        %add3A_181 = arith.constant 0 : i32
        %add3A_182 = arith.addi %mul3A_180, %add3A_181 : i32
        %get3A_183 = arith.index_cast %add3A_182 : i32 to index
        %get3A_184 = arith.index_cast %multiple_of3A : i32 to index
        %get3A_185 = tpu.vector_load %arg7[%get3A_183, %get3A_184] {strides = array<i32>} : memref<80x128xf32, #tpu.memory_space<vmem>>, vector<16xf32>,
        %gt3A_186 = arith.cmpf ogt, %get3A_185, %add3A_119 : vector<16xf32>
        %select_n3A_187 = arith.select %gt3A_186, %broadcast_in_dim3A_29, %broadcast_in_dim3A_31 : vector<16xi1>, vector<16xf32>
        %add3A_188 = arith.addf %scan3A_177, %select_n3A_187 : vector<16xf32>
        %eq3A_189 = arith.cmpf oeq, %get3A_185, %add3A_119 : vector<16xf32>
        %add3A_190 = arith.addi %multiple_of3A_166, %mul3A_180 : i32
        %add3A_191 = arith.constant 0 : i32
        %add3A_192 = arith.addi %add3A_190, %add3A_191 : i32
        %lt3A_193 = vector.broadcast %add3A_192 : i32 to vector<16xi32>
        %lt3A_194 = arith.cmpi slt, %lt3A_193, %get3A_121 : vector<16xi32>
        %and3A_195 = arith.andi %eq3A_189, %lt3A_194 : vector<16xi1>
        %select_n3A_196 = arith.select %and3A_195, %broadcast_in_dim3A_29, %broadcast_in_dim3A_31 : vector<16xi1>, vector<16xf32>
        %add3A_197 = arith.addf %scan3A_178, %select_n3A_196 : vector<16xf32>
        %add3A_198 = arith.constant 1 : i32
        %add3A_199 = arith.addi %mul3A_180, %add3A_198 : i32
        %get3A_200 = arith.index_cast %add3A_199 : i32 to index
        %get3A_201 = arith.index_cast %multiple_of3A : i32 to index
        %get3A_202 = tpu.vector_load %arg7[%get3A_200, %get3A_201] {strides = array<i32>} : memref<80x128xf32, #tpu.memory_space<vmem>>, vector<16xf32>,
        %gt3A_203 = arith.cmpf ogt, %get3A_202, %add3A_119 : vector<16xf32>
        %select_n3A_204 = arith.select %gt3A_203, %broadcast_in_dim3A_29, %broadcast_in_dim3A_31 : vector<16xi1>, vector<16xf32>
        %add3A_205 = arith.addf %add3A_188, %select_n3A_204 : vector<16xf32>
        %eq3A_206 = arith.cmpf oeq, %get3A_202, %add3A_119 : vector<16xf32>
        %add3A_207 = arith.addi %multiple_of3A_166, %mul3A_180 : i32
        %add3A_208 = arith.constant 1 : i32
        %add3A_209 = arith.addi %add3A_207, %add3A_208 : i32
        %lt3A_210 = vector.broadcast %add3A_209 : i32 to vector<16xi32>
        %lt3A_211 = arith.cmpi slt, %lt3A_210, %get3A_121 : vector<16xi32>
        %and3A_212 = arith.andi %eq3A_206, %lt3A_211 : vector<16xi1>
        %select_n3A_213 = arith.select %and3A_212, %broadcast_in_dim3A_29, %broadcast_in_dim3A_31 : vector<16xi1>, vector<16xf32>
        %add3A_214 = arith.addf %add3A_197, %select_n3A_213 : vector<16xf32>
        %add3A_215 = arith.constant 2 : i32
        %add3A_216 = arith.addi %mul3A_180, %add3A_215 : i32
        %get3A_217 = arith.index_cast %add3A_216 : i32 to index
        %get3A_218 = arith.index_cast %multiple_of3A : i32 to index
        %get3A_219 = tpu.vector_load %arg7[%get3A_217, %get3A_218] {strides = array<i32>} : memref<80x128xf32, #tpu.memory_space<vmem>>, vector<16xf32>,
        %gt3A_220 = arith.cmpf ogt, %get3A_219, %add3A_119 : vector<16xf32>
        %select_n3A_221 = arith.select %gt3A_220, %broadcast_in_dim3A_29, %broadcast_in_dim3A_31 : vector<16xi1>, vector<16xf32>
        %add3A_222 = arith.addf %add3A_205, %select_n3A_221 : vector<16xf32>
        %eq3A_223 = arith.cmpf oeq, %get3A_219, %add3A_119 : vector<16xf32>
        %add3A_224 = arith.addi %multiple_of3A_166, %mul3A_180 : i32
        %add3A_225 = arith.constant 2 : i32
        %add3A_226 = arith.addi %add3A_224, %add3A_225 : i32
        %lt3A_227 = vector.broadcast %add3A_226 : i32 to vector<16xi32>
        %lt3A_228 = arith.cmpi slt, %lt3A_227, %get3A_121 : vector<16xi32>
        %and3A_229 = arith.andi %eq3A_223, %lt3A_228 : vector<16xi1>
        %select_n3A_230 = arith.select %and3A_229, %broadcast_in_dim3A_29, %broadcast_in_dim3A_31 : vector<16xi1>, vector<16xf32>
        %add3A_231 = arith.addf %add3A_214, %select_n3A_230 : vector<16xf32>
        %add3A_232 = arith.constant 3 : i32
        %add3A_233 = arith.addi %mul3A_180, %add3A_232 : i32
        %get3A_234 = arith.index_cast %add3A_233 : i32 to index
        %get3A_235 = arith.index_cast %multiple_of3A : i32 to index
        %get3A_236 = tpu.vector_load %arg7[%get3A_234, %get3A_235] {strides = array<i32>} : memref<80x128xf32, #tpu.memory_space<vmem>>, vector<16xf32>,
        %gt3A_237 = arith.cmpf ogt, %get3A_236, %add3A_119 : vector<16xf32>
        %select_n3A_238 = arith.select %gt3A_237, %broadcast_in_dim3A_29, %broadcast_in_dim3A_31 : vector<16xi1>, vector<16xf32>
        %add3A_239 = arith.addf %add3A_222, %select_n3A_238 : vector<16xf32>
        %eq3A_240 = arith.cmpf oeq, %get3A_236, %add3A_119 : vector<16xf32>
        %add3A_241 = arith.addi %multiple_of3A_166, %mul3A_180 : i32
        %add3A_242 = arith.constant 3 : i32
        %add3A_243 = arith.addi %add3A_241, %add3A_242 : i32
        %lt3A_244 = vector.broadcast %add3A_243 : i32 to vector<16xi32>
        %lt3A_245 = arith.cmpi slt, %lt3A_244, %get3A_121 : vector<16xi32>
        %and3A_246 = arith.andi %eq3A_240, %lt3A_245 : vector<16xi1>
        %select_n3A_247 = arith.select %and3A_246, %broadcast_in_dim3A_29, %broadcast_in_dim3A_31 : vector<16xi1>, vector<16xf32>
        %add3A_248 = arith.addf %add3A_231, %select_n3A_247 : vector<16xf32>
        scf.yield %add3A_239, %add3A_248 : vector<16xf32>, vector<16xf32>
      }
      %scan3A_173 = arith.constant 20 : i32
      %add3A_174 = arith.constant 1 : i32
      %add3A_175 = arith.addi %while3A_161, %add3A_174 : i32
      scf.yield %add3A_175, %scan3A_172#0, %scan3A_172#1 : i32, vector<16xf32>, vector<16xf32>
    }
    %add3A_129 = arith.addf %while3A_128#1, %while3A_128#2 : vector<16xf32>
    %lt3A_130 = arith.constant 1.000000e+00 : f32
    %lt3A_131 = vector.broadcast %lt3A_130 : f32 to vector<16xf32>
    %lt3A_132 = arith.cmpf olt, %add3A_129, %lt3A_131 : vector<16xf32>
    %and3A_133 = arith.andi %and3A_28, %lt3A_132 : vector<16xi1>
    %select_n3A_134 = arith.select %and3A_133, %broadcast_in_dim3A_29, %broadcast_in_dim3A_31 : vector<16xi1>, vector<16xf32>
    %reduce_sum3A_135 = arith.constant true
    %reduce_sum3A_136 = vector.broadcast %reduce_sum3A_135 : i1 to vector<16xi1>
    %reduce_sum3A_137 = tpu.scan <sum>, %select_n3A_134 masked %reduce_sum3A_136 : vector<16xf32>, vector<16xi1> -> vector<16xf32>
    %reduce_sum3A_138 = vector.extract %reduce_sum3A_137[15] : f32 from vector<16xf32>
    %lt3A_139 = arith.constant 5.000000e+00 : f32
    %lt3A_140 = vector.broadcast %lt3A_139 : f32 to vector<16xf32>
    %lt3A_141 = arith.cmpf olt, %add3A_129, %lt3A_140 : vector<16xf32>
    %and3A_142 = arith.andi %and3A_28, %lt3A_141 : vector<16xi1>
    %select_n3A_143 = arith.select %and3A_142, %broadcast_in_dim3A_29, %broadcast_in_dim3A_31 : vector<16xi1>, vector<16xf32>
    %reduce_sum3A_144 = arith.constant true
    %reduce_sum3A_145 = vector.broadcast %reduce_sum3A_144 : i1 to vector<16xi1>
    %reduce_sum3A_146 = tpu.scan <sum>, %select_n3A_143 masked %reduce_sum3A_145 : vector<16xf32>, vector<16xi1> -> vector<16xf32>
    %reduce_sum3A_147 = vector.extract %reduce_sum3A_146[15] : f32 from vector<16xf32>
    %eq3A_148 = arith.constant 0 : i32
    %eq3A_149 = vector.broadcast %eq3A_148 : i32 to vector<16xi32>
    %eq3A_150 = arith.cmpi eq, %iota3A, %eq3A_149 : vector<16xi32>
    %eq3A_151 = arith.constant 1 : i32
    %eq3A_152 = vector.broadcast %eq3A_151 : i32 to vector<16xi32>
    %eq3A_153 = arith.cmpi eq, %iota3A, %eq3A_152 : vector<16xi32>
    %jit3A_154 = arith.constant 0.000000e+00 : f32
    %broadcast_in_dim3A_155 = vector.broadcast %reduce_sum3A_147 : f32 to vector<16xf32>
    %broadcast_in_dim3A_156 = vector.broadcast %jit3A_154 : f32 to vector<16xf32>
    %select_n3A_157 = arith.select %eq3A_153, %broadcast_in_dim3A_155, %broadcast_in_dim3A_156 : vector<16xi1>, vector<16xf32>
    %broadcast_in_dim3A_158 = vector.broadcast %reduce_sum3A_138 : f32 to vector<16xf32>
    %select_n3A_159 = arith.select %eq3A_150, %broadcast_in_dim3A_158, %select_n3A_157 : vector<16xi1>, vector<16xf32>
    %swap3A = arith.constant 0 : index
    %swap3A_160 = tpu.vector_load %arg8[%swap3A] {strides = array<i32>} : memref<16xf32, #tpu.memory_space<vmem>>, vector<16xf32>,
    tpu.vector_store %arg8[%swap3A], %select_n3A_159 {strides = array<i32>} : memref<16xf32, #tpu.memory_space<vmem>>, vector<16xf32>,
    "tpu.region"() ({
      %run_scoped3A = tpu.sem_alloc : memref<!tpu.dma_semaphore, #tpu.memory_space<semaphore_mem>>
      %dma_start3A_161 = arith.constant 0 : i32
      %dma_start3A_162 = tpu.memref_slice %arg4[%add3A, %dma_start3A_161] : memref<32x16xf32, #tpu.memory_space<hbm>> -> memref<1x16xf32, #tpu.memory_space<hbm>>
      %dma_start3A_163 = tpu.memref_squeeze %dma_start3A_162 : memref<1x16xf32, #tpu.memory_space<hbm>> -> memref<16xf32, #tpu.memory_space<hbm>>
      %dma_start3A_164 = arith.constant 0 : i32
      %dma_start3A_165 = tpu.memref_slice %arg4[%add3A, %dma_start3A_164] : memref<32x16xf32, #tpu.memory_space<hbm>> -> memref<1x16xf32, #tpu.memory_space<hbm>>
      %dma_start3A_166 = tpu.memref_squeeze %dma_start3A_165 : memref<1x16xf32, #tpu.memory_space<hbm>> -> memref<16xf32, #tpu.memory_space<hbm>>
      tpu.enqueue_dma source(%arg8 : memref<16xf32, #tpu.memory_space<vmem>>) target(%dma_start3A_166 : memref<16xf32, #tpu.memory_space<hbm>>) target_semaphore(%run_scoped3A : memref<!tpu.dma_semaphore, #tpu.memory_space<semaphore_mem>>)
      %dma_wait3A_167 = arith.constant 0 : i32
      %dma_wait3A_168 = tpu.memref_slice %arg4[%add3A, %dma_wait3A_167] : memref<32x16xf32, #tpu.memory_space<hbm>> -> memref<1x16xf32, #tpu.memory_space<hbm>>
      %dma_wait3A_169 = tpu.memref_squeeze %dma_wait3A_168 : memref<1x16xf32, #tpu.memory_space<hbm>> -> memref<16xf32, #tpu.memory_space<hbm>>
      %dma_wait3A_170 = arith.constant 0 : i32
      %dma_wait3A_171 = tpu.memref_slice %arg4[%add3A, %dma_wait3A_170] : memref<32x16xf32, #tpu.memory_space<hbm>> -> memref<1x16xf32, #tpu.memory_space<hbm>>
      %dma_wait3A_172 = tpu.memref_squeeze %dma_wait3A_171 : memref<1x16xf32, #tpu.memory_space<hbm>> -> memref<16xf32, #tpu.memory_space<hbm>>
      tpu.wait_dma2 semaphore(%run_scoped3A : memref<!tpu.dma_semaphore, #tpu.memory_space<semaphore_mem>>) src(%arg8 : memref<16xf32, #tpu.memory_space<vmem>>) dst(%dma_wait3A_172 : memref<16xf32, #tpu.memory_space<hbm>>)
      tpu.yield
    }) : () -> ()
    return
  }
}

</mosaic_0001>

<sc_bundles>
// kernel: kernel.3.cloned.1.call-start
scs
__scs_entry_jumppad:
0x0: {  	(pc) =	sbr.rel $0x88, $3  }
0x1: {  	(tag) =	ssettag $0x0;
	lr =	simm.s32 $0x1  }
0x2: {  	[smem:$0x3F9F] =	sst lr;
	_ =	strace $0xD0000000  }
0x3: {  	_ = 	snop  }
0x4: {  	_ = 	snop  }
0x5: {  	_ = 	snop  }
0x6: {  	_ = 	snop  }
0x7: {  	_ = 	snop  }
__scs_overlays_trampoline_lowered:
0x8: {  	[smem:$0x3FAE] =	sst s0  }
0x9: {  	[smem:$0x3FAF] =	sst s1  }
0xa: {  	[smem:$0x3FB0] =	sst s2  }
0xb: {  	[smem:$0x3FB1] =	sst s3  }
0xc: {  	[smem:$0x3FB2] =	sst s4  }
0xd: {  	[smem:$0x3FB3] =	sst s5  }
0xe: {  	[smem:$0x3FB4] =	sst s6  }
0xf: {  	[smem:$0x3FB5] =	sst s7  }
0x10: {  	[smem:$0x3FB6] =	sst s8  }
0x11: {  	[smem:$0x3FB7] =	sst s9;
	s0 =	simm.s32 @!p0 $0x0  }
0x12: {  	s1 =	sld [smem:$0x3F9D];
	s0 =	simm.s32 @p0 $0x1  }
0x13: {  	[smem:$0x3FB8] =	sst s0;
	s0 =	simm.s32 @!p1 $0x0  }
0x14: {  	s2 =	sld [smem:$0x3F9C];
	s0 =	simm.s32 @p1 $0x1  }
0x15: {  	[smem:$0x3FB9] =	sst s0;
	s0 =	simm.s32 @!p2 $0x0  }
0x16: {  	s3 =	sld [smem:$0x3FDB];
	s0 =	simm.s32 @p2 $0x1  }
0x17: {  	s4 =	simm.s32 $0x1BF5;
	[smem:$0x3FBB] =	sst s0  }
0x18: {  	s0 =	sld [smem:$0x3F9E];
	_ =	swait.ge [sflag:s4], $0x0  }
0x19: {  	s7 =	sld [smem:$0x3F9F]  }
0x1a: {  	s8 =	sadd.s32 $0xFFFFE003, lr  }
0x1b: {  	s9 =	sadd.s32 $0xFFFFFEF7, lr;
	s5 =	simm.s32 $0xFFFFFFFF;
	p2 =	slt.u32 s8, $0xFFFFF086  }
0x1c: {  	p1 =	slt.u32 s9, $0xF7A;
	s5 =	simm.s32 @!p2 $0x0  }
0x1d: {  	s5 =	simm.s32 @p1 $0x1;
	p0 =	seq.s32 s7, s2  }
0x1e: {  	s7 =	smul.u32 @!p0 $0xF7A, s2;
	p2 =	seq.s32 @!p0 s5, $0x0  }
0x1f: {  	s9 =	smul.u32 $0xF7A, s1;
	s8 =	simm.s32 @!p0 $0x1BF5;
	p2 =	por !p2, p0  }
0x20: {  	[sflag:s8] =	ssyncset.s32 @!p0 $0xFFFFF086;
	s6 =	sadd.s32 @!p0 s3, s7;
	s7 =	simm.s32 @!p0 $0x108  }
0x21: {  	s3 =	sadd.s32 s3, s9;
	s6 =	sadd.s32 @!p0 $0x88, s6;
	s7 =	simm.s32 @p2 $0x1082  }
0x22: {  	[simem:s7], [sflag:s8] =	dma.local @!p0 [hbm:s6], $0xF7A  }
0x23: {  	s9 =	sor.u32 $0xD0000000, s2;
	s6 =	simm.s32 $0x108;
	_ =	swait.ge @!p0 [sflag:s8], $0x0  }
0x24: {  	s3 =	sadd.s32 $0x88, s3;
	s6 =	simm.s32 @!p1 $0x1082;
	[sflag:s4] =	ssyncset.s32 $0xFFFFF086  }
0x25: {  	[simem:s6], [sflag:s4] =	dma.local [hbm:s3], $0xF7A  }
0x26: {  	[smem:$0x3F9F] =	sst s1;
	(tag) =	ssettag s2;
	_ =	strace s9  }
0x27: {  	s1 =	sld [smem:$0x3FAF]  }
0x28: {  	s2 =	sld [smem:$0x3FB0]  }
0x29: {  	s4 =	sld [smem:$0x3FB2]  }
0x2a: {  	p0 =	seq.s32 s5, $0x0;
	s5 =	sld [smem:$0x3FB3]  }
0x2b: {  	s6 =	sld [smem:$0x3FB4]  }
0x2c: {  	s7 =	sld [smem:$0x3FB5]  }
0x2d: {  	s3 =	simm.s32 $0x108;
	s8 =	sld [smem:$0x3FB6]  }
0x2e: {  	s3 =	simm.s32 @!p0 $0x1082;
	s9 =	sld [smem:$0x3FB7]  }
0x2f: {  	lr =	sadd.s32 s0, s3;
	s0 =	sld [smem:$0x3FAE]  }
0x30: {  	s3 =	sld [smem:$0x3FB1]  }
0x31: {  	[smem:$0x3FBA] =	sst s10  }
0x32: {  	s10 =	sld [smem:$0x3FB8];
	_ =	sdelay $0x3  }
0x33: {  	p0 =	seq.s32 s10, $0x1;
	s10 =	sld [smem:$0x3FBA];
	_ =	sdelay $0x3  }
0x34: {  	[smem:$0x3FBA] =	sst s10  }
0x35: {  	s10 =	sld [smem:$0x3FB9];
	_ =	sdelay $0x3  }
0x36: {  	p1 =	seq.s32 s10, $0x1;
	s10 =	sld [smem:$0x3FBA];
	_ =	sdelay $0x3  }
0x37: {  	[smem:$0x3FBA] =	sst s10  }
0x38: {  	s10 =	sld [smem:$0x3FBB]  }
0x39: {  	_ = 	snop;
	(pc) =	sbr.ind lr, $3  }
0x3a: {  	_ = 	snop  }
0x3b: {  	_ = 	snop  }
0x3c: {  	p2 =	seq.s32 s10, $0x1;
	s10 =	sld [smem:$0x3FBA]  }
0x3d: {  	_ =	shalt  }
0x3e: {  	_ =	shalt  }
0x3f: {  	_ =	shalt  }
0x40: {  	_ =	shalt  }
0x41: {  	_ =	shalt  }
0x42: {  	_ =	shalt  }
0x43: {  	_ =	shalt  }
0x44: {  	_ =	shalt  }
0x45: {  	_ =	shalt  }
0x46: {  	_ =	shalt  }
0x47: {  	_ =	shalt  }
0x48: {  	_ =	shalt  }
0x49: {  	_ =	shalt  }
0x4a: {  	_ =	shalt  }
0x4b: {  	_ =	shalt  }
0x4c: {  	_ =	shalt  }
0x4d: {  	_ =	shalt  }
0x4e: {  	_ =	shalt  }
0x4f: {  	_ =	shalt  }
0x50: {  	_ =	shalt  }
0x51: {  	_ =	shalt  }
0x52: {  	_ =	shalt  }
0x53: {  	_ =	shalt  }
0x54: {  	_ =	shalt  }
0x55: {  	_ =	shalt  }
0x56: {  	_ =	shalt  }
0x57: {  	_ =	shalt  }
0x58: {  	_ =	shalt  }
0x59: {  	_ =	shalt  }
0x5a: {  	_ =	shalt  }
0x5b: {  	_ =	shalt  }
0x5c: {  	_ =	shalt  }
0x5d: {  	_ =	shalt  }
0x5e: {  	_ =	shalt  }
0x5f: {  	_ =	shalt  }
0x60: {  	_ =	shalt  }
0x61: {  	_ =	shalt  }
0x62: {  	_ =	shalt  }
0x63: {  	_ =	shalt  }
0x64: {  	_ =	shalt  }
0x65: {  	_ =	shalt  }
0x66: {  	_ =	shalt  }
0x67: {  	_ =	shalt  }
0x68: {  	_ =	shalt  }
0x69: {  	_ =	shalt  }
0x6a: {  	_ =	shalt  }
0x6b: {  	_ =	shalt  }
0x6c: {  	_ =	shalt  }
0x6d: {  	_ =	shalt  }
0x6e: {  	_ =	shalt  }
0x6f: {  	_ =	shalt  }
0x70: {  	_ =	shalt  }
0x71: {  	_ =	shalt  }
0x72: {  	_ =	shalt  }
0x73: {  	_ =	shalt  }
0x74: {  	_ =	shalt  }
0x75: {  	_ =	shalt  }
0x76: {  	_ =	shalt  }
0x77: {  	_ =	shalt  }
0x78: {  	_ =	shalt  }
0x79: {  	_ =	shalt  }
0x7a: {  	_ =	shalt  }
0x7b: {  	_ =	shalt  }
0x7c: {  	_ =	shalt  }
0x7d: {  	_ =	shalt  }
0x7e: {  	_ =	shalt  }
0x7f: {  	_ =	shalt  }
0x80: {  	_ =	shalt  }
0x81: {  	_ =	shalt  }
0x82: {  	_ =	shalt  }
0x83: {  	_ =	shalt  }
0x84: {  	_ =	shalt  }
0x85: {  	_ =	shalt  }
0x86: {  	_ =	shalt  }
0x87: {  	_ =	shalt  }
.Lfunc_end0:
.L_simem_size_0:
called_computation_lowered:
.L_overlay_start_0:
0x88: {  	s2 =	sld [smem:$0x3FD9]  }
0x89: {  	s3 =	sld [smem:$0x3FFE];
	_ =	sdelay $0x1  }
0x8a: {  	s1 =	srdreg.scid  }
0x8b: {  	s0 =	sand.u32 $0x1, s1  }
0x8c: {  	s17 =	sshll.u32 s0, $0xA;
	s2 =	sadd.s32 s3, s2  }
0x8d: {  	s2 =	sadd.s32 s2, s17  }
0x8e: {  	[smem:$0x3FC6] =	sst s2  }
0x8f: {  	_ = 	snop  }
0x90: {  	s2 =	sld [smem:$0x3FC9]  }
0x91: {  	s18 =	sld [smem:$0x3FC8];
	(tm) =	ssettm $0x1  }
0x92: {  	s4 =	sld [smem:$0x3FFB];
	_ =	sdelay $0x3  }
0x93: {  	_ =	strace s4  }
0x94: {  	s4 =	sld [smem:$0x3FFC];
	_ =	sdelay $0x3  }
0x95: {  	_ =	strace s4  }
0x96: {  	s4 =	sld [smem:$0x3FFD];
	_ =	sdelay $0x3  }
0x97: {  	_ =	strace s4  }
0x98: {  	_ =	strace $0x8FFFFFFF  }
0x99: {  	s19 =	sld [smem:$0x3FDB];
	_ =	sdelay $0x1  }
0x9a: {  	s5 =	simm.s32 $_scs_section_size  }
0x9b: {  	s6 =	simm.s32 $_size__tile_overlayer_lowered;
	s7 =	simm.s32 $_tile_overlayer_lowered  }
0x9c: {  	s22 =	simm.s32 $0x1BFF;
	s21 =	sshll.u32 s7, $0x1;
	s4 =	sadd.s32 s5, s19  }
0x9d: {  	s8 =	simm.s32 $0x0;
	s20 =	sshll.u32 s6, $0x1;
	s6 =	sadd.s32 s21, s4  }
0x9e: {  	[timem:s8], [sflag:s22] =	dma.local [hbm:s6], s20  }
0x9f: {  	_ =	swait.ge [sflag:s22], s20  }
0xa0: {  	s5 =	ssub.s32 $0x0, s20;
	[sflag:s22] =	ssyncset.done $0x0  }
0xa1: {  	[sflag:s22] =	ssyncadd.s32 s5;
	_ =	sdelay $0x1  }
0xa2: {  	s23 =	simm.s32 $0x1B8B  }
0xa3: {  	_ =	swait.ge [sflag:s23], $0x1  }
0xa4: {  	[sflag:s23] =	ssyncset.done $0x0  }
0xa5: {  	s25 =	simm.s32 $0x1B8E;
	s24 =	sld [smem:$0x3FFE];
	[sflag:s23] =	ssyncadd.s32 $0xFFFFFFFF  }
0xa6: {  	s26 =	simm.s32 $execute0_lowered;
	[smem:$0x3FD2] =	sst s25  }
0xa7: {  	s6 =	sshll.u32 s26, $0x1;
	_ =	strace $0x80000046;
	[dreg:$0x1] =	wrdreg $0xFFFFFFFF  }
0xa8: {  	s28 =	simm.s32 $_size_execute0_lowered;
	s4 =	sadd.s32 s4, s6;
	[dreg:$0x0] =	wrdreg $0x0  }
0xa9: {  	s6 =	sshll.u32 s28, $0x1;
	[dreg:$0x2] =	wrdreg s4  }
0xaa: {  	[dreg:$0x3] =	wrdreg s6  }
0xab: {  	[dreg:$0x4] =	wrdreg $0xC0  }
0xac: {  	_ =	task [dreg:s8], $0x5FFFF  }
0xad: {  	[dreg:$0x1] =	wrdreg $0xFFFFFFFF  }
0xae: {  	[dreg:$0x0] =	wrdreg $0x60  }
0xaf: {  	[dreg:$0x2] =	wrdreg s2  }
0xb0: {  	[dreg:$0x3] =	wrdreg s18  }
0xb1: {  	[dreg:$0x4] =	wrdreg s24  }
0xb2: {  	[dreg:$0x5] =	wrdreg $0x9  }
0xb3: {  	_ =	task.clear_ibuf [dreg:s8], $0x6FFFF;
	_ =	strace $0x90000046  }
0xb4: {  	s29 =	simm.s32 $0x9;
	_ =	strace $0x80000048  }
0xb5: {  	_ =	swait.ge [sflag:s29], $0x1  }
0xb6: {  	[sflag:s29] =	ssyncadd.s32 $0xFFFFFFFF  }
0xb7: {  	_ =	strace $0x90000048  }
0xb8: {  	_ =	sfence  }
0xb9: {  	s30 =	sld [smem:$0x0];
	_ =	sdelay $0x2  }
0xba: {  	s31 =	sshll.u32 s1, $0xD;
	s1 =	sshrl.u32 s1, $0x2  }
0xbb: {  	s3 =	sand.u32 $0x4000, s31;
	s1 =	sadd.s32 s1, s30  }
0xbc: {  	s0 =	sor.u32 s3, s0;
	s1 =	sshll.u32 s1, $0x11  }
0xbd: {  	s0 =	sor.u32 s1, s0  }
0xbe: {  	s0 =	sadd.s32 $0x8F2B, s0  }
0xbf: {  	[sflag:s0] =	ssyncadd.remote.s32 $0x1  }
0xc0: {  	_ =	sfence.sel $0xFFFF  }
0xc1: {  	[dreg:$0x0] =	wrdreg $0xFFFFFFFF;
	(pc) =	sbr.abs _section_cstart, $3  }
0xc2: {  	[dreg:$0x1] =	wrdreg $0xFFFFFFFF  }
0xc3: {  	_ =	task.clear_ibuf [dreg:s8], $0x2FFFF;
	_ =	strace $0x9FFFFFFF  }
0xc4: {  	(tm) =	ssettm $0x7FFFFFFF  }
0xc5: {  	_ =	shalt  }
tec
execute0_lowered:
.L_overlay_start_1:
0x0: {  	(tag) =	ssettag $0x1  }
0x1: {  	s1 =	srdreg.scid;
	s0 =	stileid.u32  }
0x2: {  	s6 =	sand.u32 $0x1, s1;
	s22 =	sshll.u32 s0, $0x1  }
0x3: {  	s23 =	sshll.u32 s0, $0x3;
	s7 =	sor.u32 s6, s22  }
0x4: {  	s1 =	sand.u32 $0x70, s23;
	s3 =	sshll.u32 s7, $0x2  }
0x5: {  	s8 =	ssub.s32 s3, s1  }
0x6: {  	s2 =	rddreg [dreg:$0x0];
	v2 =	vlaneseq.u32;
	s4 =	sadd.s32 $0x4, s8  }
0x7: {  	s9 =	rddreg [dreg:$0x2];
	s5 =	simm.s32 $0x0;
	v0 =	vadd.s32 $0x1, v2;
	v3 =	vmov s8;
	v1 =	vmov s4  }
0x8: {  	[smem:$0x7FF] =	sst s5;
	vm0 =	vlt.s32 v3, v0;
	vm1 =	vgt.s32 v1, v2  }
0x9: {  	s3 =	rddreg [dreg:$0x1];
	v0 =	vimm.f32 $0.0e+00;
	vm0 =	vmand vm0, vm1  }
0xa: {  	s4 =	rddreg [dreg:$0x3];
	_ =	strace $0x80000047;
	v1 =	vsel vm0, $0x3F800000, v0  }
0xb: {  	(xrf2) =	vadd.scan.msk.f32 $0xffff, v1;
	_ =	sdelay $0x9  }
0xc: {  	v1, _, _ =	vpop (xrf2)  }
0xd: {  	(v2sf) =	vpush v1, $0xF;
	_ =	sdelay $0x4  }
0xe: {  	s16 =	simm.s32 $0x2;
	s17 =	simm.s32 $0x3080  }
0xf: {  	s18 =	simm.s32 $0x3;
	s6 =	ssub.s32 $0x2, s6;
	s7 =	sshll.u32 s7, $0x4  }
0x10: {  	s19 =	simm.s32 $0x0;
	s24 =	sshrl.u32 s6, $0x1;
	s11 =	sadd.s32 s7, s9  }
0x11: {  	s12 =	ssub.s32 s6, s24;
	s10 =	sshll.u32 s8, $0x9;
	s13 =	sor.u32 $0x2, s8  }
0x12: {  	s14 =	sor.u32 $0x1, s8;
	s28 =	sor.u32 $0x3, s8;
	s10 =	sshra.s32 s10, $0x2  }
0x13: {  	s26 =	sshll.u32 s13, $0x9;
	s29 =	sshll.u32 s14, $0x9;
	s30 =	sshll.u32 s28, $0x9  }
0x14: {  	v5 =	vmov s14;
	v6 =	vmov s13;
	s13 =	simm.s32 $0x880;
	s14 =	simm.s32 $0x1;
	s25 =	sor.u32 s1, s10  }
.Ltmp0:
0x15: {  	s7 =	sshra.s32 s26, $0x2;
	s8 =	sshra.s32 s29, $0x2;
	(pc) =	sbr.rel .LBB2_1-.Ltmp0, $4  }
0x16: {  	vm5 =	vmmov $0xffff;
	s9 =	sshra.s32 s30, $0x2;
	s10 =	sadd.s32 $0x200, s11;
	s11 =	smax.u32 s12, $0x1  }
0x17: {  	vm6 =	vcmask $0x704;
	vm7 =	vcmask $0x3F04;
	v4 =	vmov s28;
	s12 =	sor.u32 $0x980, s1;
	s6 =	sor.u32 $0x80, s25;
	s15 =	sor.u32 s1, s7  }
0x18: {  	vm4 =	veq.s32 v3, v2;
	vm2 =	veq.s32 v6, v2;
	s7 =	sor.u32 s1, s8;
	s9 =	sor.u32 s1, s9;
	v1 =	vimm.f32 $+Inf;
	s31 =	spop (v2sf)  }
0x19: {  	vm3 =	veq.s32 v5, v2;
	vm1 =	veq.s32 v4, v2;
	s8 =	sor.u32 $0x80, s15;
	s15 =	simm.s32 $0x80;
	v1 =	vsel vm0, $0x0, v1;
	p0 =	sgt.f32 s31, $0.0e+00  }
.LBB2_7:
0x1a: {  	vm8 =	vlt.f32 v7, $1.000000000e+00  }
0x1b: {  	vm9 =	vlt.f32 v7, $5.000000000e+00;
	vm8 =	vmand vm0, vm8  }
0x1c: {  	v2 =	vsel vm8, $0x3F800000, v0;
	vm8 =	vmand vm0, vm9  }
0x1d: {  	(xrf2) =	vadd.scan.msk.f32 $0xffff, v2;
	v2 =	vsel vm8, $0x3F800000, v0  }
0x1e: {  	(xrf2) =	vadd.scan.msk.f32 $0xffff, v2;
	_ =	sdelay $0x8  }
0x1f: {  	v2, _, _ =	vpop (xrf2)  }
0x20: {  	v3, _, _ =	vpop (xrf2)  }
0x21: {  	v3 =	vbroadcast v3, $0xF  }
0x22: {  	v2 =	vbroadcast v2, $0xF  }
0x23: {  	s19 =	sadd.s32 $0x1, s19;
	v3 =	vnsel vm6, $0x0, v3  }
0x24: {  	p1 =	sne.s32 s19, s11;
	v2 =	vsel vm7, v3, v2  }
.Ltmp1:
0x25: {  	[tilespmem:$0x3080] =	vst v2;
	(pc) =	sbr.rel @!p1 .LBB2_8-.Ltmp1, $4  }
0x26: {  	[hbm4b:s10+s5] =	stream.linear.scatter [tilespmem:s17], [sflag:$0x3], $0x80, $0x38;
	[tilespmem:$0x3100] =	vst v63  }
0x27: {  	_ =	swait.ge [sflag:s18], $0x80  }
0x28: {  	[sflag:s18] =	ssyncset.done $0x0  }
0x29: {  	[sflag:s18] =	ssyncadd.s32 $0xFFFFFF80  }
.LBB2_1:
0x2a: {  	[tilespmem:s5], [sflag:$0x1] =	stream.linear.gather [hbm4b:s3+s5], $0x80, $0x38;
	[tilespmem:$0x3100] =	vst v63  }
0x2b: {  	_ = 	snop  }
0x2c: {  	[tilespmem:s13], [sflag:$0x2] =	stream.linear.gather [hbm4b:s2+s5], $0x2800, $0x38;
	[tilespmem:$0x3100] =	vst v63  }
0x2d: {  	_ =	swait.ge [sflag:s14], $0x80  }
0x2e: {  	[sflag:s14] =	ssyncset.done $0x0  }
0x2f: {  	[sflag:s14] =	ssyncadd.s32 $0xFFFFFF80  }
0x30: {  	v2 =	vld [tilespmem:s1+$0x0];
	_ =	sdelay $0x7  }
0x31: {  	[tilespmem:s15], [sflag:$0x1] =	stream.indirect_vreg.gather [hbm4b:s2+s5], $0x80, v2, vm5, $0xb8;
	[tilespmem:$0x3100] =	vst v63  }
0x32: {  	_ =	swait.ge [sflag:s14], $0x800  }
0x33: {  	[sflag:s14] =	ssyncset.done $0x0  }
0x34: {  	[sflag:s14] =	ssyncadd.s32 $0xFFFFF800  }
0x35: {  	v2 =	vld [tilespmem:s6+$0x0]  }
0x36: {  	v3 =	vld [tilespmem:s7+$0x80]  }
0x37: {  	v4 =	vld [tilespmem:s8+$0x0]  }
0x38: {  	v5 =	vld [tilespmem:s9+$0x80];
	_ =	sdelay $0x1  }
0x39: {  	v2 =	vnsel vm4, $0x0, v2  }
0x3a: {  	(xrf2) =	vadd.scan.msk.f32 $0xffff, v2;
	v2 =	vnsel vm3, $0x0, v3  }
0x3b: {  	(xrf2) =	vadd.scan.msk.f32 $0xffff, v2;
	v2 =	vnsel vm2, $0x0, v4  }
0x3c: {  	(xrf2) =	vadd.scan.msk.f32 $0xffff, v2;
	v2 =	vnsel vm1, $0x0, v5  }
0x3d: {  	(xrf2) =	vadd.scan.msk.f32 $0xffff, v2;
	_ =	sdelay $0x6  }
0x3e: {  	v6, _, _ =	vpop (xrf2)  }
0x3f: {  	v5, _, _ =	vpop (xrf2)  }
.Ltmp2:
0x40: {  	v4, _, _ =	vpop (xrf2);
	(pc) =	sbr.rel @!p0 .LBB2_7-.Ltmp2, $4  }
0x41: {  	v3, _, _ =	vpop (xrf2)  }
0x42: {  	v2 =	vld [tilespmem:s1+$0x0];
	_ =	swait.ge [sflag:s16], $0x2800  }
0x43: {  	[sflag:s16] =	ssyncset.done $0x0  }
0x44: {  	v7 =	vimm.f32 $0.0e+00;
	[sflag:s16] =	ssyncadd.s32 $0xFFFFD800  }
0x45: {  	v6 =	vbroadcast v6, $0xF;
	_ =	sdelay $0x1  }
0x46: {  	v5 =	vbroadcast v5, $0xF;
	v6 =	vnsel vm4, $0x0, v6  }
0x47: {  	v6 =	vadd.f32 v6, v1  }
0x48: {  	v4 =	vbroadcast v4, $0xF;
	v5 =	vnsel vm3, $0x0, v5  }
0x49: {  	v5 =	vadd.f32 v5, v6  }
0x4a: {  	v3 =	vbroadcast v3, $0xF;
	v4 =	vnsel vm2, $0x0, v4  }
0x4b: {  	v4 =	vadd.f32 v4, v5  }
0x4c: {  	v3 =	vnsel vm1, $0x0, v3  }
0x4d: {  	s20 =	simm.s32 $0x0;
	s21 =	simm.s32 $0x0;
	v6 =	vimm.f32 $0.0e+00;
	v3 =	vadd.f32 v3, v4;
	v4 =	vimm.f32 $0.0e+00  }
.LBB2_3:
0x4e: {  	p1 =	seq.s32 s21, $0x0  }
0x4f: {  	s22 =	smul.u32 @!p1 $0x500, s21;
	_ =	sdelay $0x1  }
0x50: {  	s23 =	simm.s32 @!p1 $0x0;
	s24 =	simm.s32 @!p1 $0x880;
	s22 =	sadd.s32 @!p1 s2, s22  }
0x51: {  	[tilespmem:s24], [sflag:$0x3] =	stream.linear.gather @!p1 [hbm4b:s22+s23], $0x2800, $0x38;
	[tilespmem:$0x3100] =	vst v63  }
0x52: {  	s22 =	simm.s32 @!p1 $0x3  }
0x53: {  	_ =	swait.ge @!p1 [sflag:s22], $0x2800  }
0x54: {  	[sflag:s22] =	ssyncset.done @!p1 $0x0  }
0x55: {  	[sflag:s22] =	ssyncadd.s32 @!p1 $0xFFFFD800  }
0x56: {  	v7 =	vld [tilespmem:s12+$0x80]  }
0x57: {  	v5 =	vld [tilespmem:s12+$0x0]  }
0x58: {  	s29 =	sadd.s32 $0x0, s20;
	v8 =	vld [tilespmem:s12+$0xFFFFFF00]  }
0x59: {  	s30 =	sadd.s32 $0x3, s29;
	v9 =	vld [tilespmem:s12+$0xFFFFFF80]  }
0x5a: {  	v10 =	vmov s29;
	s31 =	sadd.s32 $0x1, s29;
	v11 =	vmov s30;
	s22 =	sadd.s32 $0x2, s29  }
0x5b: {  	vm9 =	vlt.s32 v10, v2;
	v10 =	vmov s31;
	v12 =	vmov s22  }
0x5c: {  	vm10 =	vlt.s32 v10, v2;
	vm12 =	vlt.s32 v11, v2;
	vm11 =	vlt.s32 v12, v2  }
0x5d: {  	vm13 =	veq.f32 v8, v3;
	vm14 =	vgt.f32 v5, v3;
	vm8 =	vgt.f32 v7, v3  }
0x5e: {  	vm15 =	vgt.f32 v8, v3;
	vm9 =	vmand vm9, vm13;
	vm13 =	vgt.f32 v9, v3  }
0x5f: {  	v8 =	vsel vm15, $0x3F800000, v0;
	v10 =	vsel vm9, $0x3F800000, v0;
	vm9 =	veq.f32 v9, v3  }
0x60: {  	v6 =	vadd.f32 v8, v6;
	v4 =	vadd.f32 v10, v4;
	vm9 =	vmand vm10, vm9  }
0x61: {  	s22 =	sadd.s32 $0x200, s12;
	v8 =	vsel vm13, $0x3F800000, v0;
	v9 =	vsel vm9, $0x3F800000, v0;
	vm9 =	veq.f32 v5, v3  }
0x62: {  	v5 =	vld [tilespmem:s22+$0x80];
	v6 =	vadd.f32 v8, v6;
	v8 =	vadd.f32 v9, v4;
	vm9 =	vmand vm11, vm9  }
0x63: {  	v4 =	vld [tilespmem:s22+$0x0];
	v9 =	vsel vm14, $0x3F800000, v0;
	v10 =	vsel vm9, $0x3F800000, v0;
	vm9 =	veq.f32 v7, v3  }
0x64: {  	s24 =	sadd.s32 $0x4, s20;
	s23 =	simm.s32 $0x8;
	v7 =	vld [tilespmem:s22+$0xFFFFFF00];
	v6 =	vadd.f32 v9, v6;
	v8 =	vadd.f32 v10, v8;
	vm9 =	vmand vm12, vm9  }
.LBB2_4:
0x65: {  	p1 =	sne.s32 s23, $0x4C;
	v9 =	vmov s24;
	v10 =	vld [tilespmem:s22+$0xFFFFFF80];
	s25 =	sadd.s32 $0x3, s24;
	v11 =	vsel vm8, $0x3F800000, v0;
	v14 =	vsel vm9, $0x3F800000, v0  }
0x66: {  	s26 =	sadd.s32 $0x1, s24;
	s24 =	sadd.s32 $0x2, s24;
	v13 =	vmov s25;
	v6 =	vadd.f32 v11, v6;
	v8 =	vadd.f32 v14, v8  }
0x67: {  	vm10 =	vlt.s32 v9, v2;
	v9 =	vmov s26;
	v11 =	vmov s24;
	v12 =	vmovc v5  }
0x68: {  	vm11 =	vlt.s32 v9, v2;
	vm12 =	vlt.s32 v11, v2;
	vm9 =	vlt.s32 v13, v2  }
0x69: {  	vm14 =	vgt.f32 v4, v3;
	vm8 =	vgt.f32 v12, v3;
	vm13 =	veq.f32 v7, v3  }
0x6a: {  	vm15 =	vgt.f32 v7, v3;
	vm10 =	vmand vm10, vm13;
	vm13 =	vgt.f32 v10, v3  }
0x6b: {  	v5 =	vsel vm15, $0x3F800000, v0;
	v7 =	vsel vm10, $0x3F800000, v0;
	vm10 =	veq.f32 v10, v3  }
.Ltmp3:
0x6c: {  	v6 =	vadd.f32 v5, v6;
	v7 =	vadd.f32 v7, v8;
	vm10 =	vmand vm11, vm10;
	(pc) =	sbr.rel @p1 .LBB2_4-.Ltmp3, $4  }
0x6d: {  	s22 =	sadd.s32 $0x200, s22;
	v8 =	vsel vm13, $0x3F800000, v0;
	v9 =	vsel vm10, $0x3F800000, v0;
	vm10 =	veq.f32 v4, v3  }
0x6e: {  	v6 =	vadd.f32 v8, v6;
	v5 =	vld [tilespmem:s22+$0x80];
	v8 =	vadd.f32 v9, v7;
	vm10 =	vmand vm12, vm10  }
0x6f: {  	v9 =	vsel vm14, $0x3F800000, v0;
	v4 =	vld [tilespmem:s22+$0x0];
	v10 =	vsel vm10, $0x3F800000, v0;
	vm10 =	veq.f32 v12, v3  }
0x70: {  	s24 =	sadd.s32 s23, s20;
	s23 =	sadd.s32 $0x4, s23;
	v6 =	vadd.f32 v9, v6;
	v7 =	vld [tilespmem:s22+$0xFFFFFF00];
	v8 =	vadd.f32 v10, v8;
	vm9 =	vmand vm9, vm10  }
0x71: {  	_ = 	snop  }
0x72: {  	v9 =	vld [tilespmem:s22+$0xFFFFFF80];
	_ =	sdelay $0x1  }
0x73: {  	v10 =	vsel vm8, $0x3F800000, v0  }
0x74: {  	v6 =	vadd.f32 v10, v6;
	vm8 =	vgt.f32 v7, v3  }
0x75: {  	v57 =	vsel vm8, $0x3F800000, v0  }
0x76: {  	vm8 =	vgt.f32 v9, v3;
	v6 =	vadd.f32 v57, v6  }
0x77: {  	v58 =	vsel vm8, $0x3F800000, v0  }
0x78: {  	vm8 =	vgt.f32 v4, v3;
	v6 =	vadd.f32 v58, v6  }
0x79: {  	v59 =	vsel vm8, $0x3F800000, v0  }
0x7a: {  	vm8 =	vgt.f32 v5, v3;
	v6 =	vadd.f32 v59, v6  }
0x7b: {  	v60 =	vsel vm8, $0x3F800000, v0  }
0x7c: {  	v6 =	vadd.f32 v60, v6;
	_ =	sdelay $0x1  }
0x7d: {  	vm8 =	vlt.f32 v6, $5.000000000e+00  }
0x7e: {  	vm8 =	vmand vm0, vm8  }
0x7f: {  	v61 =	vsel vm8, $0x3F800000, v0  }
0x80: {  	(xrf2) =	vadd.scan.msk.f32 $0xffff, v61;
	_ =	sdelay $0x9  }
0x81: {  	v10, _, _ =	vpop (xrf2)  }
0x82: {  	(v2sf) =	vpush v10, $0xF;
	_ =	sdelay $0xc  }
0x83: {  	v62 =	vmov s24  }
0x84: {  	v11 =	vsel vm9, $0x3F800000, v0;
	s29 =	sadd.s32 $0x1, s24;
	vm12 =	veq.f32 v7, v3;
	vm8 =	vlt.s32 v62, v2  }
0x85: {  	p1 =	sgt.u32 s21, $0x4E0;
	v7 =	vadd.f32 v11, v8;
	v8 =	vmov s29;
	vm8 =	vmand vm8, vm12;
	s22 =	spop (v2sf)  }
0x86: {  	s30 =	sadd.s32 $0x2, s24;
	vm13 =	vlt.s32 v8, v2;
	v8 =	vsel vm8, $0x3F800000, v0;
	vm8 =	veq.f32 v9, v3;
	p2 =	sgt.f32 @!p1 s22, $0.0e+00  }
0x87: {  	v63 =	vmov s30;
	v7 =	vadd.f32 v8, v7;
	vm8 =	vmand vm13, vm8  }
0x88: {  	s31 =	sadd.s32 $0x3, s24;
	vm14 =	vlt.s32 v63, v2;
	v8 =	vsel vm8, $0x3F800000, v0;
	vm8 =	veq.f32 v4, v3;
	p1 =	por p1, !p2  }
.Ltmp4:
0x89: {  	v4 =	vmov s31;
	v7 =	vadd.f32 v8, v7;
	vm8 =	vmand vm14, vm8;
	(pc) =	sbr.rel @!p1 .LBB2_3-.Ltmp4, $4  }
0x8a: {  	vm15 =	vlt.s32 v4, v2;
	v4 =	vsel vm8, $0x3F800000, v0;
	vm8 =	veq.f32 v5, v3  }
0x8b: {  	v4 =	vadd.f32 v4, v7;
	vm8 =	vmand vm15, vm8  }
0x8c: {  	v5 =	vsel vm8, $0x3F800000, v0  }
0x8d: {  	s21 =	sadd.s32 $0x1, s21;
	s20 =	sadd.s32 $0x50, s20;
	v4 =	vadd.f32 v5, v4  }
.Ltmp5:
0x8e: {  	(pc) =	sbr.rel .LBB2_7-.Ltmp5, $2  }
0x8f: {  	_ =	sdelay $0x1  }
0x90: {  	v7 =	vadd.f32 v4, v6;
	_ =	sdelay $0x1  }
.LBB2_8:
0x91: {  	_ =	sfence.sel $0x180000  }
0x92: {  	[bflag:$0x0] =	sbarrier.arrive $0xFFFF  }
0x93: {  	p0 =	sne.s32 s0, $0x0;
	_ =	strace $0x90000047  }
0x94: {  	s0 =	sadd.s32 @!p0 $0x100000, s4;
	[bflag:$0x2] =	sbarrier.arrive $0xFFFF  }
0x95: {  	[sflag:s0] =	ssyncadd.tile.s32 @!p0 $0x1;
	_ =	shalt  }
.Lfunc_end2:
_tile_overlayer_lowered:
.L_overlay_start_2:
0x96: {  	(tag) =	ssettag $0x2  }
0x97: {  	s0 =	rddreg [dreg:$0x0];
	s2 =	stileid.u32  }
0x98: {  	s1 =	rddreg [dreg:$0x1];
	p0 =	sne.s32 s2, $0x0  }
0x99: {  	s3 =	rddreg [dreg:$0x2];
	[bflag:$0x3] =	sbarrier.arrive $0xFFFF;
	s2 =	simm.s32 @!p0 $0x1C03  }
0x9a: {  	[timem:s3], [sflag:s2] =	dma.local @!p0 [hbm:s0], s1  }
0x9b: {  	s0 =	simm.s32 @!p0 $0x3  }
0x9c: {  	_ =	swait.ge @!p0 [sflag:s0], s1  }
0x9d: {  	s1 =	ssub.s32 @!p0 $0x0, s1;
	[sflag:s0] =	ssyncset.done @!p0 $0x0  }
0x9e: {  	[sflag:s0] =	ssyncadd.s32 @!p0 s1  }
0x9f: {  	[bflag:$0x3] =	sbarrier.arrive $0xFFFF  }
0xa0: {  	_ =	shalt  }

</sc_bundles>
